<compile_context>
chip_gen: v7x
topology: tpu7x:2x2x1
jax: 0.10.2.dev20260603
libtpu: 0.0.44.dev20260713+nightly
codegen_flags: <defaults>
</compile_context>

<pallas_src>
import functools

import jax
import jax.numpy as jnp
from jax import lax
from jax.experimental import pallas as pl
from jax.experimental.pallas import tpu as pltpu
from jax.experimental.pallas import tpu_sc as plsc

SDR_SIZE = 2048
N_ACTIVE = 40.0
CONTENT_DIM = 384
L1_CAP, L2_CAP, L3_CAP = 1024, 8192, 16384
TOTAL = L1_CAP + L2_CAP + L3_CAP
BATCH = 1024
NB = 512
NBLK = TOTAL // NB
L2_FIRST = L1_CAP // NB
L3_FIRST = (L1_CAP + L2_CAP) // NB
THRESHOLD = 0.3
BIG = 2**30


def _sim_kernel(q_ref, l1_ref, l2_ref, l3_ref, l1c_ref, l2c_ref, l3c_ref,
                sim_ref, idx_ref, table_ref,
                cvec_s, k_s, o_s, b_s):
    i = pl.program_id(0)

    @pl.when(i == 0)
    def _():
        iota = lax.broadcasted_iota(jnp.int32, (NB, 1), 0)
        cvec_s[...] = ((NB - 1) - iota).astype(jnp.float32)

    def process(bank_ref, content_ref):
        table_ref[...] = content_ref[...]
        b = bank_ref[...].astype(jnp.bfloat16)
        s = lax.dot_general(b, q_ref[...], (((1,), (0,)), ((), ())),
                            preferred_element_type=jnp.float32)
        key = s + cvec_s[...]
        k_blk = jnp.max(key, axis=0, keepdims=True)
        o_blk = (k_blk * (1.0 / NB)).astype(jnp.int32)

        @pl.when(i == 0)
        def _():
            k_s[...] = k_blk
            o_s[...] = o_blk
            b_s[...] = jnp.zeros_like(o_blk)

        @pl.when(i > 0)
        def _():
            upd = o_blk > o_s[...]
            k_s[...] = jnp.where(upd, k_blk, k_s[...])
            o_s[...] = jnp.where(upd, o_blk, o_s[...])
            b_s[...] = jnp.where(upd, i, b_s[...])

    @pl.when(i < L2_FIRST)
    def _():
        process(l1_ref, l1c_ref)

    @pl.when((i >= L2_FIRST) & (i < L3_FIRST))
    def _():
        process(l2_ref, l2c_ref)

    @pl.when((i >= L3_FIRST) & (i < NBLK))
    def _():
        process(l3_ref, l3c_ref)

    @pl.when(i == NBLK)
    def _():
        table_ref[...] = jnp.zeros((NB, CONTENT_DIM), jnp.float32)

    @pl.when(i == NBLK - 1)
    def _():
        overlap = o_s[...]
        sim = overlap.astype(jnp.float32) / N_ACTIVE
        sim_ref[...] = sim
        local = (NB - 1) - (k_s[...] - overlap.astype(jnp.float32) * NB
                            ).astype(jnp.int32)
        idx = b_s[...] * NB + local
        idx_ref[...] = jnp.where(sim >= THRESHOLD, idx, TOTAL)


def _similarity_argmax(q_bf, l1_sdr, l2_sdr, l3_sdr, l1c, l2c, l3c):
    return pl.pallas_call(
        _sim_kernel,
        grid=(NBLK + 1,),
        in_specs=[
            pl.BlockSpec((SDR_SIZE, BATCH), lambda i: (0, 0)),
            pl.BlockSpec((NB, SDR_SIZE),
                         lambda i: (jnp.clip(i, 0, L1_CAP // NB - 1), 0)),
            pl.BlockSpec((NB, SDR_SIZE),
                         lambda i: (jnp.clip(i - L2_FIRST, 0, L2_CAP // NB - 1), 0)),
            pl.BlockSpec((NB, SDR_SIZE),
                         lambda i: (jnp.clip(i - L3_FIRST, 0, L3_CAP // NB - 1), 0)),
            pl.BlockSpec((NB, CONTENT_DIM),
                         lambda i: (jnp.clip(i, 0, L1_CAP // NB - 1), 0)),
            pl.BlockSpec((NB, CONTENT_DIM),
                         lambda i: (jnp.clip(i - L2_FIRST, 0, L2_CAP // NB - 1), 0)),
            pl.BlockSpec((NB, CONTENT_DIM),
                         lambda i: (jnp.clip(i - L3_FIRST, 0, L3_CAP // NB - 1), 0)),
        ],
        out_specs=[
            pl.BlockSpec((1, BATCH), lambda i: (0, 0)),
            pl.BlockSpec((1, BATCH), lambda i: (0, 0)),
            pl.BlockSpec((NB, CONTENT_DIM), lambda i: (i, 0)),
        ],
        out_shape=[
            jax.ShapeDtypeStruct((1, BATCH), jnp.float32),
            jax.ShapeDtypeStruct((1, BATCH), jnp.int32),
            jax.ShapeDtypeStruct((TOTAL + NB, CONTENT_DIM), jnp.float32),
        ],
        scratch_shapes=[
            pltpu.VMEM((NB, 1), jnp.float32),
            pltpu.VMEM((1, BATCH), jnp.float32),
            pltpu.VMEM((1, BATCH), jnp.int32),
            pltpu.VMEM((1, BATCH), jnp.int32),
        ],
    )(q_bf, l1_sdr, l2_sdr, l3_sdr, l1c, l2c, l3c)


_NC, _NS = 2, 16
_NW = _NC * _NS
_BPW = BATCH // _NW

@functools.cache
def _make_content_gather():
    mesh = plsc.VectorSubcoreMesh(core_axis_name="c", subcore_axis_name="s")

    @functools.partial(
        pl.kernel,
        mesh=mesh,
        out_type=jax.ShapeDtypeStruct((BATCH, CONTENT_DIM), jnp.float32),
        scratch_types=[
            pltpu.VMEM((_BPW,), jnp.int32),
            pltpu.VMEM((_BPW, CONTENT_DIM), jnp.float32),
            pltpu.SemaphoreType.DMA,
        ],
    )
    def _content_gather(table_hbm, idx_hbm, out_hbm, idx_v, rows_v, sem):
        wid = lax.axis_index("s") * _NC + lax.axis_index("c")
        base = wid * _BPW
        pltpu.sync_copy(idx_hbm.at[pl.ds(base, _BPW)], idx_v)
        pltpu.async_copy(table_hbm.at[idx_v], rows_v, sem).wait()
        pltpu.sync_copy(rows_v, out_hbm.at[pl.ds(base, _BPW)])

    return _content_gather


def kernel(query_sdr, l1_sdr_bank, l1_content_bank, l2_sdr_bank, l2_content_bank,
           l3_sdr_bank, l3_content_bank, l1_valid_mask, l2_valid_mask, l3_valid_mask):
    q_bf = (query_sdr * float(NB)).astype(jnp.bfloat16).T
    sim2, idx2, table = _similarity_argmax(
        q_bf, l1_sdr_bank, l2_sdr_bank, l3_sdr_bank,
        l1_content_bank, l2_content_bank, l3_content_bank)
    best_sim = sim2[0]
    idx = idx2[0]
    out = _make_content_gather()(table, idx)
    return out, best_sim

# --- scband reference (transcript-rebuilt; emitter-appended) ---
"""Pipeline reference for scband-hierarchical-engram-memory-9174050144739 (READ-ONLY COPY).

The authoritative reference and input builder live on the scoring server;
editing this copy changes nothing except your own understanding.
"""

import jax, jax.numpy as jnp
import numpy as np

SDR_SIZE = 2048
N_ACTIVE = 40
CONTENT_DIM = 384
L1_CAP, L2_CAP, L3_CAP = 1024, 8192, 16384
THRESHOLD = 0.3
BATCH = 1024
NEG = -1e30


def setup_inputs(seed: int = 0) -> dict:
    key = jax.random.key(seed)
    ks = jax.random.split(key, 8)
    p = N_ACTIVE / SDR_SIZE
    query_sdr = jax.random.bernoulli(ks[0], p, (BATCH, SDR_SIZE)).astype(jnp.float32)
    l1_sdr_bank = jax.random.bernoulli(ks[1], p, (L1_CAP, SDR_SIZE)).astype(jnp.float32)
    l2_sdr_bank = jax.random.bernoulli(ks[2], p, (L2_CAP, SDR_SIZE)).astype(jnp.float32)
    l3_sdr_bank = jax.random.bernoulli(ks[3], p, (L3_CAP, SDR_SIZE)).astype(jnp.float32)
    l1_content_bank = jax.random.normal(ks[4], (L1_CAP, CONTENT_DIM), dtype=jnp.float32)
    l2_content_bank = jax.random.normal(ks[5], (L2_CAP, CONTENT_DIM), dtype=jnp.float32)
    l3_content_bank = jax.random.normal(ks[6], (L3_CAP, CONTENT_DIM), dtype=jnp.float32)
    l1_valid_mask = jnp.ones((L1_CAP,), dtype=bool)
    l2_valid_mask = jnp.ones((L2_CAP,), dtype=bool)
    l3_valid_mask = jnp.ones((L3_CAP,), dtype=bool)
    return {
        'query_sdr': query_sdr,
        'l1_sdr_bank': l1_sdr_bank,
        'l1_content_bank': l1_content_bank,
        'l2_sdr_bank': l2_sdr_bank,
        'l2_content_bank': l2_content_bank,
        'l3_sdr_bank': l3_sdr_bank,
        'l3_content_bank': l3_content_bank,
        'l1_valid_mask': l1_valid_mask,
        'l2_valid_mask': l2_valid_mask,
        'l3_valid_mask': l3_valid_mask,
    }


def reference(query_sdr, l1_sdr_bank, l1_content_bank, l2_sdr_bank, l2_content_bank,
              l3_sdr_bank, l3_content_bank, l1_valid_mask, l2_valid_mask, l3_valid_mask):
    # Hierarchical retrieval across L1/L2/L3 tiers.
    # Similarity = SDR overlap / n_active (normalized bit-overlap, as in SDR memories).
    sdr_all = jnp.concatenate([l1_sdr_bank, l2_sdr_bank, l3_sdr_bank], axis=0)
    content_all = jnp.concatenate([l1_content_bank, l2_content_bank, l3_content_bank], axis=0)
    valid_all = jnp.concatenate([l1_valid_mask, l2_valid_mask, l3_valid_mask], axis=0)
    sims = (query_sdr @ sdr_all.T) / float(N_ACTIVE)  # [B, total_slots]
    sims = jnp.where(valid_all[None, :], sims, NEG)
    best_sim, best_idx = jax.lax.top_k(sims, 1)
    best_sim = best_sim[:, 0]
    best_idx = best_idx[:, 0]
    retrieved = jnp.take(content_all, best_idx, axis=0)  # [B, content_dim]
    hit = best_sim >= THRESHOLD
    out = jnp.where(hit[:, None], retrieved, jnp.zeros_like(retrieved))
    return out, best_sim

if __name__ == "__main__":
    import jax
    _d = setup_inputs()
    print(jax.jit(kernel)(*tuple(_d.values())))

</pallas_src>

<mosaic_0001>
#map = affine_map<(d0, d1) -> (0, 0)>
#map1 = affine_map<(d0, d1) -> (0)>
module attributes {stable_mosaic.version = 14 : i64} {
  func.func @_content_gather(%arg0: i32, %arg1: i32, %arg2: memref<26112x384xf32, #tpu.memory_space<hbm>>, %arg3: memref<1024xi32, #tpu.memory_space<hbm>>, %arg4: memref<1024x384xf32, #tpu.memory_space<hbm>>, %arg5: memref<32xi32, #tpu.memory_space<vmem>>, %arg6: memref<32x384xf32, #tpu.memory_space<vmem>>, %arg7: memref<!tpu.dma_semaphore, #tpu.memory_space<semaphore_mem>>) attributes {dimension_semantics = [#tpu.dimension_semantics<core_parallel>, #tpu.dimension_semantics<subcore_parallel>], iteration_bounds = array<i64: 2, 16>, scalar_prefetch = 0 : i64, scratch_operands = 3 : i64, tpu.core_type = #tpu.core_type<sc_vector_subcore>, window_params = [{transform_indices = #map}, {transform_indices = #map1}, {transform_indices = #map}]} {
    %mul3A = arith.constant 2 : i32
    %mul3A_0 = arith.muli %arg1, %mul3A : i32
    %add3A = arith.addi %mul3A_0, %arg0 : i32
    %mul3A_1 = arith.constant 32 : i32
    %mul3A_2 = arith.muli %add3A, %mul3A_1 : i32
    "tpu.region"() ({
      %run_scoped3A = tpu.sem_alloc : memref<!tpu.dma_semaphore, #tpu.memory_space<semaphore_mem>>
      %dma_start3A_7 = tpu.memref_slice %arg3[%mul3A_2] : memref<1024xi32, #tpu.memory_space<hbm>> -> memref<32xi32, #tpu.memory_space<hbm>>
      %dma_start3A_8 = tpu.memref_slice %arg3[%mul3A_2] : memref<1024xi32, #tpu.memory_space<hbm>> -> memref<32xi32, #tpu.memory_space<hbm>>
      tpu.enqueue_dma source(%dma_start3A_8 : memref<32xi32, #tpu.memory_space<hbm>>) target(%arg5 : memref<32xi32, #tpu.memory_space<vmem>>) target_semaphore(%run_scoped3A : memref<!tpu.dma_semaphore, #tpu.memory_space<semaphore_mem>>)
      %dma_wait3A_9 = tpu.memref_slice %arg3[%mul3A_2] : memref<1024xi32, #tpu.memory_space<hbm>> -> memref<32xi32, #tpu.memory_space<hbm>>
      %dma_wait3A_10 = tpu.memref_slice %arg3[%mul3A_2] : memref<1024xi32, #tpu.memory_space<hbm>> -> memref<32xi32, #tpu.memory_space<hbm>>
      tpu.wait_dma2 semaphore(%run_scoped3A : memref<!tpu.dma_semaphore, #tpu.memory_space<semaphore_mem>>) src(%dma_wait3A_10 : memref<32xi32, #tpu.memory_space<hbm>>) dst(%arg5 : memref<32xi32, #tpu.memory_space<vmem>>)
      tpu.yield
    }) : () -> ()
    %dma_start3A = arith.constant 0 : i32
    %dma_start3A_3 = arith.constant 0 : i32
    %dma_start3A_4 = tpu.memref_slice %arg2[%dma_start3A, %dma_start3A_3] : memref<26112x384xf32, #tpu.memory_space<hbm>> -> memref<26112x384xf32, #tpu.memory_space<hbm>>
    tpu.enqueue_indirect_dma source(%dma_start3A_4 : memref<26112x384xf32, #tpu.memory_space<hbm>>) target(%arg6 : memref<32x384xf32, #tpu.memory_space<vmem>>) offsets(%arg5 : memref<32xi32, #tpu.memory_space<vmem>>) semaphore(%arg7 : memref<!tpu.dma_semaphore, #tpu.memory_space<semaphore_mem>>)
    %dma_wait3A = arith.constant 0 : i32
    %dma_wait3A_5 = arith.constant 0 : i32
    %dma_wait3A_6 = tpu.memref_slice %arg2[%dma_wait3A, %dma_wait3A_5] : memref<26112x384xf32, #tpu.memory_space<hbm>> -> memref<26112x384xf32, #tpu.memory_space<hbm>>
    tpu.wait_indirect_dma semaphore(%arg7 : memref<!tpu.dma_semaphore, #tpu.memory_space<semaphore_mem>>) src(%dma_wait3A_6 : memref<26112x384xf32, #tpu.memory_space<hbm>>) dst(%arg6 : memref<32x384xf32, #tpu.memory_space<vmem>>)
    "tpu.region"() ({
      %run_scoped3A = tpu.sem_alloc : memref<!tpu.dma_semaphore, #tpu.memory_space<semaphore_mem>>
      %dma_start3A_7 = arith.constant 0 : i32
      %dma_start3A_8 = tpu.memref_slice %arg4[%mul3A_2, %dma_start3A_7] : memref<1024x384xf32, #tpu.memory_space<hbm>> -> memref<32x384xf32, #tpu.memory_space<hbm>>
      %dma_start3A_9 = arith.constant 0 : i32
      %dma_start3A_10 = tpu.memref_slice %arg4[%mul3A_2, %dma_start3A_9] : memref<1024x384xf32, #tpu.memory_space<hbm>> -> memref<32x384xf32, #tpu.memory_space<hbm>>
      tpu.enqueue_dma source(%arg6 : memref<32x384xf32, #tpu.memory_space<vmem>>) target(%dma_start3A_10 : memref<32x384xf32, #tpu.memory_space<hbm>>) target_semaphore(%run_scoped3A : memref<!tpu.dma_semaphore, #tpu.memory_space<semaphore_mem>>)
      %dma_wait3A_11 = arith.constant 0 : i32
      %dma_wait3A_12 = tpu.memref_slice %arg4[%mul3A_2, %dma_wait3A_11] : memref<1024x384xf32, #tpu.memory_space<hbm>> -> memref<32x384xf32, #tpu.memory_space<hbm>>
      %dma_wait3A_13 = arith.constant 0 : i32
      %dma_wait3A_14 = tpu.memref_slice %arg4[%mul3A_2, %dma_wait3A_13] : memref<1024x384xf32, #tpu.memory_space<hbm>> -> memref<32x384xf32, #tpu.memory_space<hbm>>
      tpu.wait_dma2 semaphore(%run_scoped3A : memref<!tpu.dma_semaphore, #tpu.memory_space<semaphore_mem>>) src(%arg6 : memref<32x384xf32, #tpu.memory_space<vmem>>) dst(%dma_wait3A_14 : memref<32x384xf32, #tpu.memory_space<hbm>>)
      tpu.yield
    }) : () -> ()
    return
  }
}

module attributes {stable_mosaic.version = 14 : i64} {
  func.func @_sim_kernel(%arg0: i32, %arg1: memref<2048x1024xbf16, #tpu.memory_space<vmem>>, %arg2: memref<512x2048xf32, #tpu.memory_space<vmem>>, %arg3: memref<512x2048xf32, #tpu.memory_space<vmem>>, %arg4: memref<512x2048xf32, #tpu.memory_space<vmem>>, %arg5: memref<512x384xf32, #tpu.memory_space<vmem>>, %arg6: memref<512x384xf32, #tpu.memory_space<vmem>>, %arg7: memref<512x384xf32, #tpu.memory_space<vmem>>, %arg8: memref<1x1024xf32, #tpu.memory_space<vmem>>, %arg9: memref<1x1024xi32, #tpu.memory_space<vmem>>, %arg10: memref<512x384xf32, #tpu.memory_space<vmem>>, %arg11: memref<512x1xf32, #tpu.memory_space<vmem>>, %arg12: memref<1x1024xf32, #tpu.memory_space<vmem>>, %arg13: memref<1x1024xi32, #tpu.memory_space<vmem>>, %arg14: memref<1x1024xi32, #tpu.memory_space<vmem>>) attributes {dimension_semantics = [#tpu.dimension_semantics<arbitrary>], iteration_bounds = array<i64: 51>, scalar_prefetch = 0 : i64, scratch_operands = 4 : i64, tpu.core_type = #tpu.core_type<tc>, window_params = [{pipeline_mode = #tpu.pipeline_mode<synchronous>, transform_indices = @transform_0, window_bounds = array<i64: 2048, 1024>}, {transform_indices = @transform_1, window_bounds = array<i64: 512, 2048>}, {transform_indices = @transform_2, window_bounds = array<i64: 512, 2048>}, {transform_indices = @transform_3, window_bounds = array<i64: 512, 2048>}, {transform_indices = @transform_4, window_bounds = array<i64: 512, 384>}, {transform_indices = @transform_5, window_bounds = array<i64: 512, 384>}, {transform_indices = @transform_6, window_bounds = array<i64: 512, 384>}, {pipeline_mode = #tpu.pipeline_mode<synchronous>, transform_indices = @transform_7, window_bounds = array<i64: 1, 1024>}, {pipeline_mode = #tpu.pipeline_mode<synchronous>, transform_indices = @transform_8, window_bounds = array<i64: 1, 1024>}, {transform_indices = @transform_9, window_bounds = array<i64: 512, 384>}]} {
    %eq3A = arith.constant 0 : i32
    %eq3A_0 = arith.cmpi eq, %arg0, %eq3A : i32
    %convert_element_type3A = arith.extui %eq3A_0 : i1 to i32
    %cond3A = arith.constant 0 : i32
    %cond3A_1 = arith.cmpi ne, %convert_element_type3A, %cond3A : i32
    scf.if %cond3A_1 {
      %iota3A = tpu.iota {dimensions = array<i32: 0>} : vector<512x1xi32>
      %sub3A = arith.constant 511 : i32
      %sub3A_30 = vector.broadcast %sub3A : i32 to vector<512x1xi32>
      %sub3A_31 = arith.subi %sub3A_30, %iota3A : vector<512x1xi32>
      %convert_element_type3A_32 = arith.sitofp %sub3A_31 : vector<512x1xi32> to vector<512x1xf32>
      %swap3A = arith.constant 0 : index
      %swap3A_33 = arith.constant 0 : index
      %swap3A_34 = vector.load %arg11[%swap3A, %swap3A_33] : memref<512x1xf32, #tpu.memory_space<vmem>>, vector<512x1xf32>
      tpu.vector_store %arg11[%swap3A, %swap3A_33], %convert_element_type3A_32 {strides = array<i32>} : memref<512x1xf32, #tpu.memory_space<vmem>>, vector<512x1xf32>,
    } else {
    }
    %lt3A = arith.constant 2 : i32
    %lt3A_2 = arith.cmpi slt, %arg0, %lt3A : i32
    %convert_element_type3A_3 = arith.extui %lt3A_2 : i1 to i32
    %cond3A_4 = arith.constant 0 : i32
    %cond3A_5 = arith.cmpi ne, %convert_element_type3A_3, %cond3A_4 : i32
    scf.if %cond3A_5 {
      %get3A = arith.constant 0 : index
      %get3A_30 = arith.constant 0 : index
      %get3A_31 = vector.load %arg5[%get3A, %get3A_30] : memref<512x384xf32, #tpu.memory_space<vmem>>, vector<512x384xf32>
      %swap3A = arith.constant 0 : index
      %swap3A_32 = arith.constant 0 : index
      %swap3A_33 = vector.load %arg10[%swap3A, %swap3A_32] : memref<512x384xf32, #tpu.memory_space<vmem>>, vector<512x384xf32>
      tpu.vector_store %arg10[%swap3A, %swap3A_32], %get3A_31 {strides = array<i32>} : memref<512x384xf32, #tpu.memory_space<vmem>>, vector<512x384xf32>,
      %get3A_34 = arith.constant 0 : index
      %get3A_35 = arith.constant 0 : index
      %get3A_36 = vector.load %arg2[%get3A_34, %get3A_35] : memref<512x2048xf32, #tpu.memory_space<vmem>>, vector<512x2048xf32>
      %convert_element_type3A_37 = arith.truncf %get3A_36 : vector<512x2048xf32> to vector<512x2048xbf16>
      %get3A_38 = arith.constant 0 : index
      %get3A_39 = arith.constant 0 : index
      %get3A_40 = vector.load %arg1[%get3A_38, %get3A_39] : memref<2048x1024xbf16, #tpu.memory_space<vmem>>, vector<2048x1024xbf16>
      %dot_general3A = arith.constant dense<0.000000e+00> : vector<512x1024xf32>
      %dot_general3A_41 = tpu.matmul %convert_element_type3A_37, %get3A_40, %dot_general3A {dimension_numbers = #tpu.dot_dimension_numbers<[1], [0], [0], [1], [0, 0, 1, 1], [], []>, transpose_lhs_hint = false} : vector<512x2048xbf16>, vector<2048x1024xbf16>, vector<512x1024xf32> -> vector<512x1024xf32>
      %get3A_42 = arith.constant 0 : index
      %get3A_43 = arith.constant 0 : index
      %get3A_44 = vector.load %arg11[%get3A_42, %get3A_43] : memref<512x1xf32, #tpu.memory_space<vmem>>, vector<512x1xf32>
      %add3A = vector.broadcast %get3A_44 : vector<512x1xf32> to vector<512x1024xf32>
      %add3A_45 = arith.addf %dot_general3A_41, %add3A : vector<512x1024xf32>
      %reduce_max3A = arith.constant dense<0xFF800000> : vector<1024xf32>
      %reduce_max3A_46 = vector.multi_reduction <maximumf>, %add3A_45, %reduce_max3A [0] : vector<512x1024xf32> to vector<1024xf32>
      %broadcast_in_dim3A = vector.shape_cast %reduce_max3A_46 : vector<1024xf32> to vector<1x1024xf32>
      %mul3A = arith.constant 0.001953125 : f32
      %mul3A_47 = vector.broadcast %mul3A : f32 to vector<1x1024xf32>
      %mul3A_48 = arith.mulf %broadcast_in_dim3A, %mul3A_47 : vector<1x1024xf32>
      %convert_element_type3A_49 = arith.fptosi %mul3A_48 : vector<1x1024xf32> to vector<1x1024xi32>
      %eq3A_50 = arith.constant 0 : i32
      %eq3A_51 = arith.cmpi eq, %arg0, %eq3A_50 : i32
      %convert_element_type3A_52 = arith.extui %eq3A_51 : i1 to i32
      %cond3A_53 = arith.constant 0 : i32
      %cond3A_54 = arith.cmpi ne, %convert_element_type3A_52, %cond3A_53 : i32
      scf.if %cond3A_54 {
        %swap3A_59 = arith.constant 0 : index
        %swap3A_60 = arith.constant 0 : index
        %swap3A_61 = vector.load %arg12[%swap3A_59, %swap3A_60] : memref<1x1024xf32, #tpu.memory_space<vmem>>, vector<1x1024xf32>
        tpu.vector_store %arg12[%swap3A_59, %swap3A_60], %broadcast_in_dim3A {strides = array<i32>} : memref<1x1024xf32, #tpu.memory_space<vmem>>, vector<1x1024xf32>,
        %swap3A_62 = arith.constant 0 : index
        %swap3A_63 = arith.constant 0 : index
        %swap3A_64 = vector.load %arg13[%swap3A_62, %swap3A_63] : memref<1x1024xi32, #tpu.memory_space<vmem>>, vector<1x1024xi32>
        tpu.vector_store %arg13[%swap3A_62, %swap3A_63], %convert_element_type3A_49 {strides = array<i32>} : memref<1x1024xi32, #tpu.memory_space<vmem>>, vector<1x1024xi32>,
        %broadcast_in_dim3A_65 = arith.constant 0 : i32
        %broadcast_in_dim3A_66 = vector.broadcast %broadcast_in_dim3A_65 : i32 to vector<1x1024xi32>
        %swap3A_67 = arith.constant 0 : index
        %swap3A_68 = arith.constant 0 : index
        %swap3A_69 = vector.load %arg14[%swap3A_67, %swap3A_68] : memref<1x1024xi32, #tpu.memory_space<vmem>>, vector<1x1024xi32>
        tpu.vector_store %arg14[%swap3A_67, %swap3A_68], %broadcast_in_dim3A_66 {strides = array<i32>} : memref<1x1024xi32, #tpu.memory_space<vmem>>, vector<1x1024xi32>,
      } else {
      }
      %gt3A = arith.constant 0 : i32
      %gt3A_55 = arith.cmpi sgt, %arg0, %gt3A : i32
      %convert_element_type3A_56 = arith.extui %gt3A_55 : i1 to i32
      %cond3A_57 = arith.constant 0 : i32
      %cond3A_58 = arith.cmpi ne, %convert_element_type3A_56, %cond3A_57 : i32
      scf.if %cond3A_58 {
        %get3A_59 = arith.constant 0 : index
        %get3A_60 = arith.constant 0 : index
        %get3A_61 = vector.load %arg13[%get3A_59, %get3A_60] : memref<1x1024xi32, #tpu.memory_space<vmem>>, vector<1x1024xi32>
        %gt3A_62 = arith.cmpi sgt, %convert_element_type3A_49, %get3A_61 : vector<1x1024xi32>
        %get3A_63 = arith.constant 0 : index
        %get3A_64 = arith.constant 0 : index
        %get3A_65 = vector.load %arg12[%get3A_63, %get3A_64] : memref<1x1024xf32, #tpu.memory_space<vmem>>, vector<1x1024xf32>
        %select_n3A = arith.select %gt3A_62, %broadcast_in_dim3A, %get3A_65 : vector<1x1024xi1>, vector<1x1024xf32>
        %swap3A_66 = arith.constant 0 : index
        %swap3A_67 = arith.constant 0 : index
        %swap3A_68 = vector.load %arg12[%swap3A_66, %swap3A_67] : memref<1x1024xf32, #tpu.memory_space<vmem>>, vector<1x1024xf32>
        tpu.vector_store %arg12[%swap3A_66, %swap3A_67], %select_n3A {strides = array<i32>} : memref<1x1024xf32, #tpu.memory_space<vmem>>, vector<1x1024xf32>,
        %get3A_69 = arith.constant 0 : index
        %get3A_70 = arith.constant 0 : index
        %get3A_71 = vector.load %arg13[%get3A_69, %get3A_70] : memref<1x1024xi32, #tpu.memory_space<vmem>>, vector<1x1024xi32>
        %select_n3A_72 = arith.select %gt3A_62, %convert_element_type3A_49, %get3A_71 : vector<1x1024xi1>, vector<1x1024xi32>
        %swap3A_73 = arith.constant 0 : index
        %swap3A_74 = arith.constant 0 : index
        %swap3A_75 = vector.load %arg13[%swap3A_73, %swap3A_74] : memref<1x1024xi32, #tpu.memory_space<vmem>>, vector<1x1024xi32>
        tpu.vector_store %arg13[%swap3A_73, %swap3A_74], %select_n3A_72 {strides = array<i32>} : memref<1x1024xi32, #tpu.memory_space<vmem>>, vector<1x1024xi32>,
        %get3A_76 = arith.constant 0 : index
        %get3A_77 = arith.constant 0 : index
        %get3A_78 = vector.load %arg14[%get3A_76, %get3A_77] : memref<1x1024xi32, #tpu.memory_space<vmem>>, vector<1x1024xi32>
        %broadcast_in_dim3A_79 = vector.broadcast %arg0 : i32 to vector<1x1024xi32>
        %select_n3A_80 = arith.select %gt3A_62, %broadcast_in_dim3A_79, %get3A_78 : vector<1x1024xi1>, vector<1x1024xi32>
        %swap3A_81 = arith.constant 0 : index
        %swap3A_82 = arith.constant 0 : index
        %swap3A_83 = vector.load %arg14[%swap3A_81, %swap3A_82] : memref<1x1024xi32, #tpu.memory_space<vmem>>, vector<1x1024xi32>
        tpu.vector_store %arg14[%swap3A_81, %swap3A_82], %select_n3A_80 {strides = array<i32>} : memref<1x1024xi32, #tpu.memory_space<vmem>>, vector<1x1024xi32>,
      } else {
      }
    } else {
    }
    %ge3A = arith.constant 2 : i32
    %ge3A_6 = arith.cmpi sge, %arg0, %ge3A : i32
    %lt3A_7 = arith.constant 18 : i32
    %lt3A_8 = arith.cmpi slt, %arg0, %lt3A_7 : i32
    %and3A = arith.andi %ge3A_6, %lt3A_8 : i1
    %convert_element_type3A_9 = arith.extui %and3A : i1 to i32
    %cond3A_10 = arith.constant 0 : i32
    %cond3A_11 = arith.cmpi ne, %convert_element_type3A_9, %cond3A_10 : i32
    scf.if %cond3A_11 {
      %get3A = arith.constant 0 : index
      %get3A_30 = arith.constant 0 : index
      %get3A_31 = vector.load %arg6[%get3A, %get3A_30] : memref<512x384xf32, #tpu.memory_space<vmem>>, vector<512x384xf32>
      %swap3A = arith.constant 0 : index
      %swap3A_32 = arith.constant 0 : index
      %swap3A_33 = vector.load %arg10[%swap3A, %swap3A_32] : memref<512x384xf32, #tpu.memory_space<vmem>>, vector<512x384xf32>
      tpu.vector_store %arg10[%swap3A, %swap3A_32], %get3A_31 {strides = array<i32>} : memref<512x384xf32, #tpu.memory_space<vmem>>, vector<512x384xf32>,
      %get3A_34 = arith.constant 0 : index
      %get3A_35 = arith.constant 0 : index
      %get3A_36 = vector.load %arg3[%get3A_34, %get3A_35] : memref<512x2048xf32, #tpu.memory_space<vmem>>, vector<512x2048xf32>
      %convert_element_type3A_37 = arith.truncf %get3A_36 : vector<512x2048xf32> to vector<512x2048xbf16>
      %get3A_38 = arith.constant 0 : index
      %get3A_39 = arith.constant 0 : index
      %get3A_40 = vector.load %arg1[%get3A_38, %get3A_39] : memref<2048x1024xbf16, #tpu.memory_space<vmem>>, vector<2048x1024xbf16>
      %dot_general3A = arith.constant dense<0.000000e+00> : vector<512x1024xf32>
      %dot_general3A_41 = tpu.matmul %convert_element_type3A_37, %get3A_40, %dot_general3A {dimension_numbers = #tpu.dot_dimension_numbers<[1], [0], [0], [1], [0, 0, 1, 1], [], []>, transpose_lhs_hint = false} : vector<512x2048xbf16>, vector<2048x1024xbf16>, vector<512x1024xf32> -> vector<512x1024xf32>
      %get3A_42 = arith.constant 0 : index
      %get3A_43 = arith.constant 0 : index
      %get3A_44 = vector.load %arg11[%get3A_42, %get3A_43] : memref<512x1xf32, #tpu.memory_space<vmem>>, vector<512x1xf32>
      %add3A = vector.broadcast %get3A_44 : vector<512x1xf32> to vector<512x1024xf32>
      %add3A_45 = arith.addf %dot_general3A_41, %add3A : vector<512x1024xf32>
      %reduce_max3A = arith.constant dense<0xFF800000> : vector<1024xf32>
      %reduce_max3A_46 = vector.multi_reduction <maximumf>, %add3A_45, %reduce_max3A [0] : vector<512x1024xf32> to vector<1024xf32>
      %broadcast_in_dim3A = vector.shape_cast %reduce_max3A_46 : vector<1024xf32> to vector<1x1024xf32>
      %mul3A = arith.constant 0.001953125 : f32
      %mul3A_47 = vector.broadcast %mul3A : f32 to vector<1x1024xf32>
      %mul3A_48 = arith.mulf %broadcast_in_dim3A, %mul3A_47 : vector<1x1024xf32>
      %convert_element_type3A_49 = arith.fptosi %mul3A_48 : vector<1x1024xf32> to vector<1x1024xi32>
      %eq3A_50 = arith.constant 0 : i32
      %eq3A_51 = arith.cmpi eq, %arg0, %eq3A_50 : i32
      %convert_element_type3A_52 = arith.extui %eq3A_51 : i1 to i32
      %cond3A_53 = arith.constant 0 : i32
      %cond3A_54 = arith.cmpi ne, %convert_element_type3A_52, %cond3A_53 : i32
      scf.if %cond3A_54 {
        %swap3A_59 = arith.constant 0 : index
        %swap3A_60 = arith.constant 0 : index
        %swap3A_61 = vector.load %arg12[%swap3A_59, %swap3A_60] : memref<1x1024xf32, #tpu.memory_space<vmem>>, vector<1x1024xf32>
        tpu.vector_store %arg12[%swap3A_59, %swap3A_60], %broadcast_in_dim3A {strides = array<i32>} : memref<1x1024xf32, #tpu.memory_space<vmem>>, vector<1x1024xf32>,
        %swap3A_62 = arith.constant 0 : index
        %swap3A_63 = arith.constant 0 : index
        %swap3A_64 = vector.load %arg13[%swap3A_62, %swap3A_63] : memref<1x1024xi32, #tpu.memory_space<vmem>>, vector<1x1024xi32>
        tpu.vector_store %arg13[%swap3A_62, %swap3A_63], %convert_element_type3A_49 {strides = array<i32>} : memref<1x1024xi32, #tpu.memory_space<vmem>>, vector<1x1024xi32>,
        %broadcast_in_dim3A_65 = arith.constant 0 : i32
        %broadcast_in_dim3A_66 = vector.broadcast %broadcast_in_dim3A_65 : i32 to vector<1x1024xi32>
        %swap3A_67 = arith.constant 0 : index
        %swap3A_68 = arith.constant 0 : index
        %swap3A_69 = vector.load %arg14[%swap3A_67, %swap3A_68] : memref<1x1024xi32, #tpu.memory_space<vmem>>, vector<1x1024xi32>
        tpu.vector_store %arg14[%swap3A_67, %swap3A_68], %broadcast_in_dim3A_66 {strides = array<i32>} : memref<1x1024xi32, #tpu.memory_space<vmem>>, vector<1x1024xi32>,
      } else {
      }
      %gt3A = arith.constant 0 : i32
      %gt3A_55 = arith.cmpi sgt, %arg0, %gt3A : i32
      %convert_element_type3A_56 = arith.extui %gt3A_55 : i1 to i32
      %cond3A_57 = arith.constant 0 : i32
      %cond3A_58 = arith.cmpi ne, %convert_element_type3A_56, %cond3A_57 : i32
      scf.if %cond3A_58 {
        %get3A_59 = arith.constant 0 : index
        %get3A_60 = arith.constant 0 : index
        %get3A_61 = vector.load %arg13[%get3A_59, %get3A_60] : memref<1x1024xi32, #tpu.memory_space<vmem>>, vector<1x1024xi32>
        %gt3A_62 = arith.cmpi sgt, %convert_element_type3A_49, %get3A_61 : vector<1x1024xi32>
        %get3A_63 = arith.constant 0 : index
        %get3A_64 = arith.constant 0 : index
        %get3A_65 = vector.load %arg12[%get3A_63, %get3A_64] : memref<1x1024xf32, #tpu.memory_space<vmem>>, vector<1x1024xf32>
        %select_n3A = arith.select %gt3A_62, %broadcast_in_dim3A, %get3A_65 : vector<1x1024xi1>, vector<1x1024xf32>
        %swap3A_66 = arith.constant 0 : index
        %swap3A_67 = arith.constant 0 : index
        %swap3A_68 = vector.load %arg12[%swap3A_66, %swap3A_67] : memref<1x1024xf32, #tpu.memory_space<vmem>>, vector<1x1024xf32>
        tpu.vector_store %arg12[%swap3A_66, %swap3A_67], %select_n3A {strides = array<i32>} : memref<1x1024xf32, #tpu.memory_space<vmem>>, vector<1x1024xf32>,
        %get3A_69 = arith.constant 0 : index
        %get3A_70 = arith.constant 0 : index
        %get3A_71 = vector.load %arg13[%get3A_69, %get3A_70] : memref<1x1024xi32, #tpu.memory_space<vmem>>, vector<1x1024xi32>
        %select_n3A_72 = arith.select %gt3A_62, %convert_element_type3A_49, %get3A_71 : vector<1x1024xi1>, vector<1x1024xi32>
        %swap3A_73 = arith.constant 0 : index
        %swap3A_74 = arith.constant 0 : index
        %swap3A_75 = vector.load %arg13[%swap3A_73, %swap3A_74] : memref<1x1024xi32, #tpu.memory_space<vmem>>, vector<1x1024xi32>
        tpu.vector_store %arg13[%swap3A_73, %swap3A_74], %select_n3A_72 {strides = array<i32>} : memref<1x1024xi32, #tpu.memory_space<vmem>>, vector<1x1024xi32>,
        %get3A_76 = arith.constant 0 : index
        %get3A_77 = arith.constant 0 : index
        %get3A_78 = vector.load %arg14[%get3A_76, %get3A_77] : memref<1x1024xi32, #tpu.memory_space<vmem>>, vector<1x1024xi32>
        %broadcast_in_dim3A_79 = vector.broadcast %arg0 : i32 to vector<1x1024xi32>
        %select_n3A_80 = arith.select %gt3A_62, %broadcast_in_dim3A_79, %get3A_78 : vector<1x1024xi1>, vector<1x1024xi32>
        %swap3A_81 = arith.constant 0 : index
        %swap3A_82 = arith.constant 0 : index
        %swap3A_83 = vector.load %arg14[%swap3A_81, %swap3A_82] : memref<1x1024xi32, #tpu.memory_space<vmem>>, vector<1x1024xi32>
        tpu.vector_store %arg14[%swap3A_81, %swap3A_82], %select_n3A_80 {strides = array<i32>} : memref<1x1024xi32, #tpu.memory_space<vmem>>, vector<1x1024xi32>,
      } else {
      }
    } else {
    }
    %ge3A_12 = arith.constant 18 : i32
    %ge3A_13 = arith.cmpi sge, %arg0, %ge3A_12 : i32
    %lt3A_14 = arith.constant 50 : i32
    %lt3A_15 = arith.cmpi slt, %arg0, %lt3A_14 : i32
    %and3A_16 = arith.andi %ge3A_13, %lt3A_15 : i1
    %convert_element_type3A_17 = arith.extui %and3A_16 : i1 to i32
    %cond3A_18 = arith.constant 0 : i32
    %cond3A_19 = arith.cmpi ne, %convert_element_type3A_17, %cond3A_18 : i32
    scf.if %cond3A_19 {
      %get3A = arith.constant 0 : index
      %get3A_30 = arith.constant 0 : index
      %get3A_31 = vector.load %arg7[%get3A, %get3A_30] : memref<512x384xf32, #tpu.memory_space<vmem>>, vector<512x384xf32>
      %swap3A = arith.constant 0 : index
      %swap3A_32 = arith.constant 0 : index
      %swap3A_33 = vector.load %arg10[%swap3A, %swap3A_32] : memref<512x384xf32, #tpu.memory_space<vmem>>, vector<512x384xf32>
      tpu.vector_store %arg10[%swap3A, %swap3A_32], %get3A_31 {strides = array<i32>} : memref<512x384xf32, #tpu.memory_space<vmem>>, vector<512x384xf32>,
      %get3A_34 = arith.constant 0 : index
      %get3A_35 = arith.constant 0 : index
      %get3A_36 = vector.load %arg4[%get3A_34, %get3A_35] : memref<512x2048xf32, #tpu.memory_space<vmem>>, vector<512x2048xf32>
      %convert_element_type3A_37 = arith.truncf %get3A_36 : vector<512x2048xf32> to vector<512x2048xbf16>
      %get3A_38 = arith.constant 0 : index
      %get3A_39 = arith.constant 0 : index
      %get3A_40 = vector.load %arg1[%get3A_38, %get3A_39] : memref<2048x1024xbf16, #tpu.memory_space<vmem>>, vector<2048x1024xbf16>
      %dot_general3A = arith.constant dense<0.000000e+00> : vector<512x1024xf32>
      %dot_general3A_41 = tpu.matmul %convert_element_type3A_37, %get3A_40, %dot_general3A {dimension_numbers = #tpu.dot_dimension_numbers<[1], [0], [0], [1], [0, 0, 1, 1], [], []>, transpose_lhs_hint = false} : vector<512x2048xbf16>, vector<2048x1024xbf16>, vector<512x1024xf32> -> vector<512x1024xf32>
      %get3A_42 = arith.constant 0 : index
      %get3A_43 = arith.constant 0 : index
      %get3A_44 = vector.load %arg11[%get3A_42, %get3A_43] : memref<512x1xf32, #tpu.memory_space<vmem>>, vector<512x1xf32>
      %add3A = vector.broadcast %get3A_44 : vector<512x1xf32> to vector<512x1024xf32>
      %add3A_45 = arith.addf %dot_general3A_41, %add3A : vector<512x1024xf32>
      %reduce_max3A = arith.constant dense<0xFF800000> : vector<1024xf32>
      %reduce_max3A_46 = vector.multi_reduction <maximumf>, %add3A_45, %reduce_max3A [0] : vector<512x1024xf32> to vector<1024xf32>
      %broadcast_in_dim3A = vector.shape_cast %reduce_max3A_46 : vector<1024xf32> to vector<1x1024xf32>
      %mul3A = arith.constant 0.001953125 : f32
      %mul3A_47 = vector.broadcast %mul3A : f32 to vector<1x1024xf32>
      %mul3A_48 = arith.mulf %broadcast_in_dim3A, %mul3A_47 : vector<1x1024xf32>
      %convert_element_type3A_49 = arith.fptosi %mul3A_48 : vector<1x1024xf32> to vector<1x1024xi32>
      %eq3A_50 = arith.constant 0 : i32
      %eq3A_51 = arith.cmpi eq, %arg0, %eq3A_50 : i32
      %convert_element_type3A_52 = arith.extui %eq3A_51 : i1 to i32
      %cond3A_53 = arith.constant 0 : i32
      %cond3A_54 = arith.cmpi ne, %convert_element_type3A_52, %cond3A_53 : i32
      scf.if %cond3A_54 {
        %swap3A_59 = arith.constant 0 : index
        %swap3A_60 = arith.constant 0 : index
        %swap3A_61 = vector.load %arg12[%swap3A_59, %swap3A_60] : memref<1x1024xf32, #tpu.memory_space<vmem>>, vector<1x1024xf32>
        tpu.vector_store %arg12[%swap3A_59, %swap3A_60], %broadcast_in_dim3A {strides = array<i32>} : memref<1x1024xf32, #tpu.memory_space<vmem>>, vector<1x1024xf32>,
        %swap3A_62 = arith.constant 0 : index
        %swap3A_63 = arith.constant 0 : index
        %swap3A_64 = vector.load %arg13[%swap3A_62, %swap3A_63] : memref<1x1024xi32, #tpu.memory_space<vmem>>, vector<1x1024xi32>
        tpu.vector_store %arg13[%swap3A_62, %swap3A_63], %convert_element_type3A_49 {strides = array<i32>} : memref<1x1024xi32, #tpu.memory_space<vmem>>, vector<1x1024xi32>,
        %broadcast_in_dim3A_65 = arith.constant 0 : i32
        %broadcast_in_dim3A_66 = vector.broadcast %broadcast_in_dim3A_65 : i32 to vector<1x1024xi32>
        %swap3A_67 = arith.constant 0 : index
        %swap3A_68 = arith.constant 0 : index
        %swap3A_69 = vector.load %arg14[%swap3A_67, %swap3A_68] : memref<1x1024xi32, #tpu.memory_space<vmem>>, vector<1x1024xi32>
        tpu.vector_store %arg14[%swap3A_67, %swap3A_68], %broadcast_in_dim3A_66 {strides = array<i32>} : memref<1x1024xi32, #tpu.memory_space<vmem>>, vector<1x1024xi32>,
      } else {
      }
      %gt3A = arith.constant 0 : i32
      %gt3A_55 = arith.cmpi sgt, %arg0, %gt3A : i32
      %convert_element_type3A_56 = arith.extui %gt3A_55 : i1 to i32
      %cond3A_57 = arith.constant 0 : i32
      %cond3A_58 = arith.cmpi ne, %convert_element_type3A_56, %cond3A_57 : i32
      scf.if %cond3A_58 {
        %get3A_59 = arith.constant 0 : index
        %get3A_60 = arith.constant 0 : index
        %get3A_61 = vector.load %arg13[%get3A_59, %get3A_60] : memref<1x1024xi32, #tpu.memory_space<vmem>>, vector<1x1024xi32>
        %gt3A_62 = arith.cmpi sgt, %convert_element_type3A_49, %get3A_61 : vector<1x1024xi32>
        %get3A_63 = arith.constant 0 : index
        %get3A_64 = arith.constant 0 : index
        %get3A_65 = vector.load %arg12[%get3A_63, %get3A_64] : memref<1x1024xf32, #tpu.memory_space<vmem>>, vector<1x1024xf32>
        %select_n3A = arith.select %gt3A_62, %broadcast_in_dim3A, %get3A_65 : vector<1x1024xi1>, vector<1x1024xf32>
        %swap3A_66 = arith.constant 0 : index
        %swap3A_67 = arith.constant 0 : index
        %swap3A_68 = vector.load %arg12[%swap3A_66, %swap3A_67] : memref<1x1024xf32, #tpu.memory_space<vmem>>, vector<1x1024xf32>
        tpu.vector_store %arg12[%swap3A_66, %swap3A_67], %select_n3A {strides = array<i32>} : memref<1x1024xf32, #tpu.memory_space<vmem>>, vector<1x1024xf32>,
        %get3A_69 = arith.constant 0 : index
        %get3A_70 = arith.constant 0 : index
        %get3A_71 = vector.load %arg13[%get3A_69, %get3A_70] : memref<1x1024xi32, #tpu.memory_space<vmem>>, vector<1x1024xi32>
        %select_n3A_72 = arith.select %gt3A_62, %convert_element_type3A_49, %get3A_71 : vector<1x1024xi1>, vector<1x1024xi32>
        %swap3A_73 = arith.constant 0 : index
        %swap3A_74 = arith.constant 0 : index
        %swap3A_75 = vector.load %arg13[%swap3A_73, %swap3A_74] : memref<1x1024xi32, #tpu.memory_space<vmem>>, vector<1x1024xi32>
        tpu.vector_store %arg13[%swap3A_73, %swap3A_74], %select_n3A_72 {strides = array<i32>} : memref<1x1024xi32, #tpu.memory_space<vmem>>, vector<1x1024xi32>,
        %get3A_76 = arith.constant 0 : index
        %get3A_77 = arith.constant 0 : index
        %get3A_78 = vector.load %arg14[%get3A_76, %get3A_77] : memref<1x1024xi32, #tpu.memory_space<vmem>>, vector<1x1024xi32>
        %broadcast_in_dim3A_79 = vector.broadcast %arg0 : i32 to vector<1x1024xi32>
        %select_n3A_80 = arith.select %gt3A_62, %broadcast_in_dim3A_79, %get3A_78 : vector<1x1024xi1>, vector<1x1024xi32>
        %swap3A_81 = arith.constant 0 : index
        %swap3A_82 = arith.constant 0 : index
        %swap3A_83 = vector.load %arg14[%swap3A_81, %swap3A_82] : memref<1x1024xi32, #tpu.memory_space<vmem>>, vector<1x1024xi32>
        tpu.vector_store %arg14[%swap3A_81, %swap3A_82], %select_n3A_80 {strides = array<i32>} : memref<1x1024xi32, #tpu.memory_space<vmem>>, vector<1x1024xi32>,
      } else {
      }
    } else {
    }
    %eq3A_20 = arith.constant 50 : i32
    %eq3A_21 = arith.cmpi eq, %arg0, %eq3A_20 : i32
    %convert_element_type3A_22 = arith.extui %eq3A_21 : i1 to i32
    %cond3A_23 = arith.constant 0 : i32
    %cond3A_24 = arith.cmpi ne, %convert_element_type3A_22, %cond3A_23 : i32
    scf.if %cond3A_24 {
      %broadcast_in_dim3A = arith.constant 0.000000e+00 : f32
      %broadcast_in_dim3A_30 = vector.broadcast %broadcast_in_dim3A : f32 to vector<512x384xf32>
      %swap3A = arith.constant 0 : index
      %swap3A_31 = arith.constant 0 : index
      %swap3A_32 = vector.load %arg10[%swap3A, %swap3A_31] : memref<512x384xf32, #tpu.memory_space<vmem>>, vector<512x384xf32>
      tpu.vector_store %arg10[%swap3A, %swap3A_31], %broadcast_in_dim3A_30 {strides = array<i32>} : memref<512x384xf32, #tpu.memory_space<vmem>>, vector<512x384xf32>,
    } else {
    }
    %eq3A_25 = arith.constant 49 : i32
    %eq3A_26 = arith.cmpi eq, %arg0, %eq3A_25 : i32
    %convert_element_type3A_27 = arith.extui %eq3A_26 : i1 to i32
    %cond3A_28 = arith.constant 0 : i32
    %cond3A_29 = arith.cmpi ne, %convert_element_type3A_27, %cond3A_28 : i32
    scf.if %cond3A_29 {
      %get3A = arith.constant 0 : index
      %get3A_30 = arith.constant 0 : index
      %get3A_31 = vector.load %arg13[%get3A, %get3A_30] : memref<1x1024xi32, #tpu.memory_space<vmem>>, vector<1x1024xi32>
      %convert_element_type3A_32 = arith.sitofp %get3A_31 : vector<1x1024xi32> to vector<1x1024xf32>
      %div3A = arith.constant 4.000000e+01 : f32
      %div3A_33 = vector.broadcast %div3A : f32 to vector<1x1024xf32>
      %div3A_34 = arith.divf %convert_element_type3A_32, %div3A_33 : vector<1x1024xf32>
      %swap3A = arith.constant 0 : index
      %swap3A_35 = arith.constant 0 : index
      %swap3A_36 = vector.load %arg8[%swap3A, %swap3A_35] : memref<1x1024xf32, #tpu.memory_space<vmem>>, vector<1x1024xf32>
      tpu.vector_store %arg8[%swap3A, %swap3A_35], %div3A_34 {strides = array<i32>} : memref<1x1024xf32, #tpu.memory_space<vmem>>, vector<1x1024xf32>,
      %get3A_37 = arith.constant 0 : index
      %get3A_38 = arith.constant 0 : index
      %get3A_39 = vector.load %arg12[%get3A_37, %get3A_38] : memref<1x1024xf32, #tpu.memory_space<vmem>>, vector<1x1024xf32>
      %convert_element_type3A_40 = arith.sitofp %get3A_31 : vector<1x1024xi32> to vector<1x1024xf32>
      %mul3A = arith.constant 5.120000e+02 : f32
      %mul3A_41 = vector.broadcast %mul3A : f32 to vector<1x1024xf32>
      %mul3A_42 = arith.mulf %convert_element_type3A_40, %mul3A_41 : vector<1x1024xf32>
      %sub3A = arith.subf %get3A_39, %mul3A_42 : vector<1x1024xf32>
      %convert_element_type3A_43 = arith.fptosi %sub3A : vector<1x1024xf32> to vector<1x1024xi32>
      %sub3A_44 = arith.constant 511 : i32
      %sub3A_45 = vector.broadcast %sub3A_44 : i32 to vector<1x1024xi32>
      %sub3A_46 = arith.subi %sub3A_45, %convert_element_type3A_43 : vector<1x1024xi32>
      %get3A_47 = arith.constant 0 : index
      %get3A_48 = arith.constant 0 : index
      %get3A_49 = vector.load %arg14[%get3A_47, %get3A_48] : memref<1x1024xi32, #tpu.memory_space<vmem>>, vector<1x1024xi32>
      %mul3A_50 = arith.constant 512 : i32
      %mul3A_51 = vector.broadcast %mul3A_50 : i32 to vector<1x1024xi32>
      %mul3A_52 = arith.muli %get3A_49, %mul3A_51 : vector<1x1024xi32>
      %add3A = arith.addi %mul3A_52, %sub3A_46 : vector<1x1024xi32>
      %ge3A_53 = arith.constant 3.000000e-01 : f32
      %ge3A_54 = vector.broadcast %ge3A_53 : f32 to vector<1x1024xf32>
      %ge3A_55 = arith.cmpf oge, %div3A_34, %ge3A_54 : vector<1x1024xf32>
      %jit3A = arith.constant 25600 : i32
      %broadcast_in_dim3A = vector.broadcast %jit3A : i32 to vector<1x1024xi32>
      %select_n3A = arith.select %ge3A_55, %add3A, %broadcast_in_dim3A : vector<1x1024xi1>, vector<1x1024xi32>
      %swap3A_56 = arith.constant 0 : index
      %swap3A_57 = arith.constant 0 : index
      %swap3A_58 = vector.load %arg9[%swap3A_56, %swap3A_57] : memref<1x1024xi32, #tpu.memory_space<vmem>>, vector<1x1024xi32>
      tpu.vector_store %arg9[%swap3A_56, %swap3A_57], %select_n3A {strides = array<i32>} : memref<1x1024xi32, #tpu.memory_space<vmem>>, vector<1x1024xi32>,
    } else {
    }
    return
  }
  func.func @transform_0(%arg0: i32) -> (i32, i32) {
    %c0_i32 = arith.constant 0 : i32
    %c0_i32_0 = arith.constant 0 : i32
    %c0_i32_1 = arith.constant 0 : i32
    return %c0_i32, %c0_i32_0 : i32, i32
  }
  func.func @transform_1(%arg0: i32) -> (i32, i32) {
    %jit3A = arith.constant 0 : i32
    %jit3A_0 = arith.constant 1 : i32
    %max3A = arith.maxsi %jit3A, %arg0 : i32
    %min3A = arith.minsi %jit3A_0, %max3A : i32
    %c0_i32 = arith.constant 0 : i32
    %c0_i32_1 = arith.constant 0 : i32
    return %min3A, %c0_i32 : i32, i32
  }
  func.func @transform_2(%arg0: i32) -> (i32, i32) {
    %sub3A = arith.constant 2 : i32
    %sub3A_0 = arith.subi %arg0, %sub3A : i32
    %jit3A = arith.constant 0 : i32
    %jit3A_1 = arith.constant 15 : i32
    %max3A = arith.maxsi %jit3A, %sub3A_0 : i32
    %min3A = arith.minsi %jit3A_1, %max3A : i32
    %c0_i32 = arith.constant 0 : i32
    %c0_i32_2 = arith.constant 0 : i32
    return %min3A, %c0_i32 : i32, i32
  }
  func.func @transform_3(%arg0: i32) -> (i32, i32) {
    %sub3A = arith.constant 18 : i32
    %sub3A_0 = arith.subi %arg0, %sub3A : i32
    %jit3A = arith.constant 0 : i32
    %jit3A_1 = arith.constant 31 : i32
    %max3A = arith.maxsi %jit3A, %sub3A_0 : i32
    %min3A = arith.minsi %jit3A_1, %max3A : i32
    %c0_i32 = arith.constant 0 : i32
    %c0_i32_2 = arith.constant 0 : i32
    return %min3A, %c0_i32 : i32, i32
  }
  func.func @transform_4(%arg0: i32) -> (i32, i32) {
    %jit3A = arith.constant 0 : i32
    %jit3A_0 = arith.constant 1 : i32
    %max3A = arith.maxsi %jit3A, %arg0 : i32
    %min3A = arith.minsi %jit3A_0, %max3A : i32
    %c0_i32 = arith.constant 0 : i32
    %c0_i32_1 = arith.constant 0 : i32
    return %min3A, %c0_i32 : i32, i32
  }
  func.func @transform_5(%arg0: i32) -> (i32, i32) {
    %sub3A = arith.constant 2 : i32
    %sub3A_0 = arith.subi %arg0, %sub3A : i32
    %jit3A = arith.constant 0 : i32
    %jit3A_1 = arith.constant 15 : i32
    %max3A = arith.maxsi %jit3A, %sub3A_0 : i32
    %min3A = arith.minsi %jit3A_1, %max3A : i32
    %c0_i32 = arith.constant 0 : i32
    %c0_i32_2 = arith.constant 0 : i32
    return %min3A, %c0_i32 : i32, i32
  }
  func.func @transform_6(%arg0: i32) -> (i32, i32) {
    %sub3A = arith.constant 18 : i32
    %sub3A_0 = arith.subi %arg0, %sub3A : i32
    %jit3A = arith.constant 0 : i32
    %jit3A_1 = arith.constant 31 : i32
    %max3A = arith.maxsi %jit3A, %sub3A_0 : i32
    %min3A = arith.minsi %jit3A_1, %max3A : i32
    %c0_i32 = arith.constant 0 : i32
    %c0_i32_2 = arith.constant 0 : i32
    return %min3A, %c0_i32 : i32, i32
  }
  func.func @transform_7(%arg0: i32) -> (i32, i32) {
    %c0_i32 = arith.constant 0 : i32
    %c0_i32_0 = arith.constant 0 : i32
    %c0_i32_1 = arith.constant 0 : i32
    return %c0_i32, %c0_i32_0 : i32, i32
  }
  func.func @transform_8(%arg0: i32) -> (i32, i32) {
    %c0_i32 = arith.constant 0 : i32
    %c0_i32_0 = arith.constant 0 : i32
    %c0_i32_1 = arith.constant 0 : i32
    return %c0_i32, %c0_i32_0 : i32, i32
  }
  func.func @transform_9(%arg0: i32) -> (i32, i32) {
    %c0_i32 = arith.constant 0 : i32
    %c0_i32_0 = arith.constant 0 : i32
    return %arg0, %c0_i32 : i32, i32
  }
}

</mosaic_0001>

<sc_bundles>
// kernel: kernel.4.cloned.1.call-start
scs
__scs_entry_jumppad:
0x0: {  	(pc) =	sbr.rel $0x88, $3  }
0x1: {  	(tag) =	ssettag $0x0;
	lr =	simm.s32 $0x1  }
0x2: {  	[smem:$0x3F9A] =	sst lr;
	_ =	strace $0xD0000000  }
0x3: {  	_ = 	snop  }
0x4: {  	_ = 	snop  }
0x5: {  	_ = 	snop  }
0x6: {  	_ = 	snop  }
0x7: {  	_ = 	snop  }
__scs_overlays_trampoline_lowered:
0x8: {  	[smem:$0x3FA9] =	sst s0  }
0x9: {  	[smem:$0x3FAA] =	sst s1  }
0xa: {  	[smem:$0x3FAB] =	sst s2  }
0xb: {  	[smem:$0x3FAC] =	sst s3  }
0xc: {  	[smem:$0x3FAD] =	sst s4  }
0xd: {  	[smem:$0x3FAE] =	sst s5  }
0xe: {  	[smem:$0x3FAF] =	sst s6  }
0xf: {  	[smem:$0x3FB0] =	sst s7  }
0x10: {  	[smem:$0x3FB1] =	sst s8  }
0x11: {  	[smem:$0x3FB2] =	sst s9;
	s0 =	simm.s32 @!p0 $0x0  }
0x12: {  	s1 =	sld [smem:$0x3F98];
	s0 =	simm.s32 @p0 $0x1  }
0x13: {  	[smem:$0x3FB3] =	sst s0;
	s0 =	simm.s32 @!p1 $0x0  }
0x14: {  	s2 =	sld [smem:$0x3F97];
	s0 =	simm.s32 @p1 $0x1  }
0x15: {  	[smem:$0x3FB4] =	sst s0;
	s0 =	simm.s32 @!p2 $0x0  }
0x16: {  	s3 =	sld [smem:$0x3FDB];
	s0 =	simm.s32 @p2 $0x1  }
0x17: {  	s4 =	simm.s32 $0x1BF5;
	[smem:$0x3FB6] =	sst s0  }
0x18: {  	s0 =	sld [smem:$0x3F99];
	_ =	swait.ge [sflag:s4], $0x0  }
0x19: {  	s7 =	sld [smem:$0x3F9A]  }
0x1a: {  	s8 =	sadd.s32 $0xFFFFE003, lr  }
0x1b: {  	s9 =	sadd.s32 $0xFFFFFEF7, lr;
	s5 =	simm.s32 $0xFFFFFFFF;
	p2 =	slt.u32 s8, $0xFFFFF086  }
0x1c: {  	p1 =	slt.u32 s9, $0xF7A;
	s5 =	simm.s32 @!p2 $0x0  }
0x1d: {  	s5 =	simm.s32 @p1 $0x1;
	p0 =	seq.s32 s7, s2  }
0x1e: {  	s7 =	smul.u32 @!p0 $0xF7A, s2;
	p2 =	seq.s32 @!p0 s5, $0x0  }
0x1f: {  	s9 =	smul.u32 $0xF7A, s1;
	s8 =	simm.s32 @!p0 $0x1BF5;
	p2 =	por !p2, p0  }
0x20: {  	[sflag:s8] =	ssyncset.s32 @!p0 $0xFFFFF086;
	s6 =	sadd.s32 @!p0 s3, s7;
	s7 =	simm.s32 @!p0 $0x108  }
0x21: {  	s3 =	sadd.s32 s3, s9;
	s6 =	sadd.s32 @!p0 $0x88, s6;
	s7 =	simm.s32 @p2 $0x1082  }
0x22: {  	[simem:s7], [sflag:s8] =	dma.local @!p0 [hbm:s6], $0xF7A  }
0x23: {  	s9 =	sor.u32 $0xD0000000, s2;
	s6 =	simm.s32 $0x108;
	_ =	swait.ge @!p0 [sflag:s8], $0x0  }
0x24: {  	s3 =	sadd.s32 $0x88, s3;
	s6 =	simm.s32 @!p1 $0x1082;
	[sflag:s4] =	ssyncset.s32 $0xFFFFF086  }
0x25: {  	[simem:s6], [sflag:s4] =	dma.local [hbm:s3], $0xF7A  }
0x26: {  	[smem:$0x3F9A] =	sst s1;
	(tag) =	ssettag s2;
	_ =	strace s9  }
0x27: {  	s1 =	sld [smem:$0x3FAA]  }
0x28: {  	s2 =	sld [smem:$0x3FAB]  }
0x29: {  	s4 =	sld [smem:$0x3FAD]  }
0x2a: {  	p0 =	seq.s32 s5, $0x0;
	s5 =	sld [smem:$0x3FAE]  }
0x2b: {  	s6 =	sld [smem:$0x3FAF]  }
0x2c: {  	s7 =	sld [smem:$0x3FB0]  }
0x2d: {  	s3 =	simm.s32 $0x108;
	s8 =	sld [smem:$0x3FB1]  }
0x2e: {  	s3 =	simm.s32 @!p0 $0x1082;
	s9 =	sld [smem:$0x3FB2]  }
0x2f: {  	lr =	sadd.s32 s0, s3;
	s0 =	sld [smem:$0x3FA9]  }
0x30: {  	s3 =	sld [smem:$0x3FAC]  }
0x31: {  	[smem:$0x3FB5] =	sst s10  }
0x32: {  	s10 =	sld [smem:$0x3FB3];
	_ =	sdelay $0x3  }
0x33: {  	p0 =	seq.s32 s10, $0x1;
	s10 =	sld [smem:$0x3FB5];
	_ =	sdelay $0x3  }
0x34: {  	[smem:$0x3FB5] =	sst s10  }
0x35: {  	s10 =	sld [smem:$0x3FB4];
	_ =	sdelay $0x3  }
0x36: {  	p1 =	seq.s32 s10, $0x1;
	s10 =	sld [smem:$0x3FB5];
	_ =	sdelay $0x3  }
0x37: {  	[smem:$0x3FB5] =	sst s10  }
0x38: {  	s10 =	sld [smem:$0x3FB6]  }
0x39: {  	_ = 	snop;
	(pc) =	sbr.ind lr, $3  }
0x3a: {  	_ = 	snop  }
0x3b: {  	_ = 	snop  }
0x3c: {  	p2 =	seq.s32 s10, $0x1;
	s10 =	sld [smem:$0x3FB5]  }
0x3d: {  	_ =	shalt  }
0x3e: {  	_ =	shalt  }
0x3f: {  	_ =	shalt  }
0x40: {  	_ =	shalt  }
0x41: {  	_ =	shalt  }
0x42: {  	_ =	shalt  }
0x43: {  	_ =	shalt  }
0x44: {  	_ =	shalt  }
0x45: {  	_ =	shalt  }
0x46: {  	_ =	shalt  }
0x47: {  	_ =	shalt  }
0x48: {  	_ =	shalt  }
0x49: {  	_ =	shalt  }
0x4a: {  	_ =	shalt  }
0x4b: {  	_ =	shalt  }
0x4c: {  	_ =	shalt  }
0x4d: {  	_ =	shalt  }
0x4e: {  	_ =	shalt  }
0x4f: {  	_ =	shalt  }
0x50: {  	_ =	shalt  }
0x51: {  	_ =	shalt  }
0x52: {  	_ =	shalt  }
0x53: {  	_ =	shalt  }
0x54: {  	_ =	shalt  }
0x55: {  	_ =	shalt  }
0x56: {  	_ =	shalt  }
0x57: {  	_ =	shalt  }
0x58: {  	_ =	shalt  }
0x59: {  	_ =	shalt  }
0x5a: {  	_ =	shalt  }
0x5b: {  	_ =	shalt  }
0x5c: {  	_ =	shalt  }
0x5d: {  	_ =	shalt  }
0x5e: {  	_ =	shalt  }
0x5f: {  	_ =	shalt  }
0x60: {  	_ =	shalt  }
0x61: {  	_ =	shalt  }
0x62: {  	_ =	shalt  }
0x63: {  	_ =	shalt  }
0x64: {  	_ =	shalt  }
0x65: {  	_ =	shalt  }
0x66: {  	_ =	shalt  }
0x67: {  	_ =	shalt  }
0x68: {  	_ =	shalt  }
0x69: {  	_ =	shalt  }
0x6a: {  	_ =	shalt  }
0x6b: {  	_ =	shalt  }
0x6c: {  	_ =	shalt  }
0x6d: {  	_ =	shalt  }
0x6e: {  	_ =	shalt  }
0x6f: {  	_ =	shalt  }
0x70: {  	_ =	shalt  }
0x71: {  	_ =	shalt  }
0x72: {  	_ =	shalt  }
0x73: {  	_ =	shalt  }
0x74: {  	_ =	shalt  }
0x75: {  	_ =	shalt  }
0x76: {  	_ =	shalt  }
0x77: {  	_ =	shalt  }
0x78: {  	_ =	shalt  }
0x79: {  	_ =	shalt  }
0x7a: {  	_ =	shalt  }
0x7b: {  	_ =	shalt  }
0x7c: {  	_ =	shalt  }
0x7d: {  	_ =	shalt  }
0x7e: {  	_ =	shalt  }
0x7f: {  	_ =	shalt  }
0x80: {  	_ =	shalt  }
0x81: {  	_ =	shalt  }
0x82: {  	_ =	shalt  }
0x83: {  	_ =	shalt  }
0x84: {  	_ =	shalt  }
0x85: {  	_ =	shalt  }
0x86: {  	_ =	shalt  }
0x87: {  	_ =	shalt  }
.Lfunc_end0:
.L_simem_size_0:
called_computation_lowered:
.L_overlay_start_0:
0x88: {  	s2 =	sld [smem:$0x3FD9]  }
0x89: {  	s3 =	sld [smem:$0x3FFE];
	_ =	sdelay $0x1  }
0x8a: {  	s1 =	srdreg.scid  }
0x8b: {  	s0 =	sand.u32 $0x1, s1  }
0x8c: {  	s14 =	sshll.u32 s0, $0xA;
	s2 =	sadd.s32 s3, s2  }
0x8d: {  	s2 =	sadd.s32 s2, s14  }
0x8e: {  	[smem:$0x3FC1] =	sst s2  }
0x8f: {  	_ = 	snop  }
0x90: {  	s2 =	sld [smem:$0x3FD0];
	_ =	sdelay $0x2  }
0x91: {  	s15 =	simm.s32 $0xA;
	s4 =	simm.s32 $0x10  }
0x92: {  	[smem:s4], [sflag:s15] =	dma.local [hbm:s2], $0x1  }
0x93: {  	_ =	swait.eq [sflag:s15], $0x1  }
0x94: {  	[sflag:s15] =	ssyncset.done $0x0  }
0x95: {  	[sflag:s15] =	ssyncadd.s32 $0xFFFFFFFF  }
0x96: {  	s16 =	sld [smem:$0x10];
	(tm) =	ssettm $0x1  }
0x97: {  	s17 =	sld [smem:$0x3FFB];
	_ =	sdelay $0x3  }
0x98: {  	_ =	strace s17  }
0x99: {  	s3 =	sld [smem:$0x3FFC];
	_ =	sdelay $0x3  }
0x9a: {  	_ =	strace s3  }
0x9b: {  	s3 =	sld [smem:$0x3FFD];
	_ =	sdelay $0x3  }
0x9c: {  	_ =	strace s3  }
0x9d: {  	_ =	strace $0x8FFFFFFF  }
0x9e: {  	s18 =	sld [smem:$0x3FDB];
	_ =	sdelay $0x1  }
0x9f: {  	s19 =	simm.s32 $_scs_section_size  }
0xa0: {  	s5 =	simm.s32 $_size__tile_overlayer_lowered;
	s6 =	simm.s32 $_tile_overlayer_lowered  }
0xa1: {  	s22 =	simm.s32 $0x1BFF;
	s21 =	sshll.u32 s6, $0x1;
	s3 =	sadd.s32 s19, s18  }
0xa2: {  	s7 =	simm.s32 $0x0;
	s20 =	sshll.u32 s5, $0x1;
	s5 =	sadd.s32 s21, s3  }
0xa3: {  	[timem:s7], [sflag:s22] =	dma.local [hbm:s5], s20  }
0xa4: {  	_ =	swait.ge [sflag:s22], s20  }
0xa5: {  	s4 =	ssub.s32 $0x0, s20;
	[sflag:s22] =	ssyncset.done $0x0  }
0xa6: {  	[sflag:s22] =	ssyncadd.s32 s4;
	_ =	sdelay $0x1  }
0xa7: {  	s23 =	simm.s32 $0x1B8B  }
0xa8: {  	_ =	swait.ge [sflag:s23], $0x1  }
0xa9: {  	[sflag:s23] =	ssyncset.done $0x0  }
0xaa: {  	s25 =	simm.s32 $0x1B8E;
	s24 =	sld [smem:$0x3FFE];
	[sflag:s23] =	ssyncadd.s32 $0xFFFFFFFF  }
0xab: {  	s26 =	simm.s32 $execute0_lowered;
	[smem:$0x3FD2] =	sst s25  }
0xac: {  	s5 =	sshll.u32 s26, $0x1;
	_ =	strace $0x80000046;
	[dreg:$0x1] =	wrdreg $0xFFFFFFFF  }
0xad: {  	s28 =	simm.s32 $_size_execute0_lowered;
	s3 =	sadd.s32 s3, s5;
	[dreg:$0x0] =	wrdreg $0x0  }
0xae: {  	s5 =	sshll.u32 s28, $0x1;
	[dreg:$0x2] =	wrdreg s3  }
0xaf: {  	[dreg:$0x3] =	wrdreg s5  }
0xb0: {  	[dreg:$0x4] =	wrdreg $0xC0  }
0xb1: {  	_ =	task [dreg:s7], $0x5FFFF  }
0xb2: {  	[dreg:$0x1] =	wrdreg $0xFFFFFFFF  }
0xb3: {  	[dreg:$0x0] =	wrdreg $0x60  }
0xb4: {  	[dreg:$0x2] =	wrdreg s24  }
0xb5: {  	[dreg:$0x3] =	wrdreg s16  }
0xb6: {  	[dreg:$0x4] =	wrdreg $0x9  }
0xb7: {  	_ =	task.clear_ibuf [dreg:s7], $0x5FFFF;
	_ =	strace $0x90000046  }
0xb8: {  	s29 =	simm.s32 $0x9;
	_ =	strace $0x80000048  }
0xb9: {  	_ =	swait.ge [sflag:s29], $0x1  }
0xba: {  	[sflag:s29] =	ssyncadd.s32 $0xFFFFFFFF  }
0xbb: {  	_ =	strace $0x90000048  }
0xbc: {  	_ =	sfence  }
0xbd: {  	s30 =	sld [smem:$0x0];
	_ =	sdelay $0x2  }
0xbe: {  	s31 =	sshll.u32 s1, $0xD;
	s1 =	sshrl.u32 s1, $0x2  }
0xbf: {  	s3 =	sand.u32 $0x4000, s31;
	s1 =	sadd.s32 s1, s30  }
0xc0: {  	s0 =	sor.u32 s3, s0;
	s1 =	sshll.u32 s1, $0x11  }
0xc1: {  	s0 =	sor.u32 s1, s0  }
0xc2: {  	s0 =	sadd.s32 $0x8F2B, s0  }
0xc3: {  	[sflag:s0] =	ssyncadd.remote.s32 $0x1  }
0xc4: {  	_ =	sfence.sel $0xFFFF  }
0xc5: {  	[dreg:$0x0] =	wrdreg $0xFFFFFFFF;
	(pc) =	sbr.abs _section_cstart, $3  }
0xc6: {  	[dreg:$0x1] =	wrdreg $0xFFFFFFFF  }
0xc7: {  	_ =	task.clear_ibuf [dreg:s7], $0x2FFFF;
	_ =	strace $0x9FFFFFFF  }
0xc8: {  	(tm) =	ssettm $0x7FFFFFFF  }
0xc9: {  	_ =	shalt  }
tec
execute0_lowered:
.L_overlay_start_1:
0x0: {  	(tag) =	ssettag $0x1  }
0x1: {  	s5 =	rddreg [dreg:$0x0]  }
0x2: {  	s6 =	rddreg [dreg:$0x1]  }
0x3: {  	s0 =	rddreg [dreg:$0x2];
	s2 =	simm.s32 $0x0;
	s3 =	srdreg.scid  }
0x4: {  	s1 =	stileid.u32;
	s10 =	simm.s32 $0x880;
	s11 =	simm.s32 $0xC80  }
0x5: {  	s12 =	simm.s32 $0x1480;
	s13 =	simm.s32 $0x1880;
	s14 =	simm.s32 $0x2080  }
0x6: {  	s15 =	simm.s32 $0x2480;
	s16 =	simm.s32 $0x2C80;
	s17 =	simm.s32 $0x1  }
0x7: {  	[smem:$0x7FF] =	sst s2;
	s4 =	sand.u32 $0x1, s3;
	s7 =	sshll.u32 s1, $0x3  }
0x8: {  	s3 =	sadd.s32 $0xC00, s5;
	s8 =	sshll.u32 s4, $0x2;
	s4 =	ssub.s32 $0x2, s4  }
0x9: {  	_ =	strace $0x80000047;
	s7 =	sor.u32 s8, s7;
	s9 =	sshrl.u32 s4, $0x1  }
0xa: {  	v2 =	vlaneseq.u32;
	s8 =	sadd.s32 s7, s5;
	s7 =	smul.u32 $0x180, s7;
	s9 =	ssub.s32 s4, s9  }
0xb: {  	vm0 =	vmmov $0xffff;
	vm1 =	vmmov $0xff;
	v1 =	vshrl.u32 v2, $0x3;
	s5 =	sadd.s32 $0xD00, s5;
	s4 =	sadd.s32 $0x132C00, s8;
	s8 =	simm.s32 $0x2  }
0xc: {  	v0 =	vand.u32 $0x7, v2;
	v2 =	vor.u32 $0x8, v2;
	v1 =	vmul.u32 $0x8, v1;
	s6 =	sadd.s32 s6, s7;
	s7 =	smax.u32 s9, $0x1;
	s9 =	simm.s32 $0x80  }
.LBB2_1:
0xd: {  	[tilespmem:s2], [sflag:$0x2] =	stream.linear.gather [hbm4b:s4+s2], $0x20, $0x38;
	[tilespmem:$0x3080] =	vst v63  }
0xe: {  	_ =	swait.ge [sflag:s8], $0x20  }
0xf: {  	[sflag:s8] =	ssyncset.done $0x0  }
0x10: {  	[sflag:s8] =	ssyncadd.s32 $0xFFFFFFE0  }
0x11: {  	v3 =	vld [tilespmem:$0x0];
	_ =	sdelay $0x4  }
0x12: {  	v4 =	vshrl.u32 v3, $0x3  }
0x13: {  	v4 =	vmul.u32 $0x18, v4  }
0x14: {  	v3 =	vand.u32 $0x7, v3  }
0x15: {  	v3 =	vor.u32 v3, v4  }
0x16: {  	v4 =	vperm.xlane v3, v0;
	_ =	sdelay $0x1  }
0x17: {  	v4 =	vadd.s32 v1, v4;
	_ =	sdelay $0x1  }
0x18: {  	v3 =	vperm.xlane v3, v2;
	_ =	sdelay $0x1  }
0x19: {  	v3 =	vadd.s32 v1, v3  }
0x1a: {  	[tilespmem:s9], [sflag:$0x1] =	stream.indirect_vreg.gather [hbm4b:s3+s2], $0x80, v4, vm0, $0xb8;
	[tilespmem:$0x3080] =	vst v63  }
0x1b: {  	_ = 	snop  }
0x1c: {  	[tilespmem:s10], [sflag:$0x1] =	stream.indirect_vreg.gather [hbm4b:s5+s2], $0x80, v4, vm1, $0xb8;
	[tilespmem:$0x3080] =	vst v63  }
0x1d: {  	_ = 	snop  }
0x1e: {  	[tilespmem:s11], [sflag:$0x1] =	stream.indirect_vreg.gather [hbm4b:s3+s2], $0x80, v3, vm0, $0xb8;
	[tilespmem:$0x3080] =	vst v63  }
0x1f: {  	_ = 	snop  }
0x20: {  	[tilespmem:s12], [sflag:$0x1] =	stream.indirect_vreg.gather [hbm4b:s5+s2], $0x80, v3, vm1, $0xb8;
	[tilespmem:$0x3080] =	vst v63  }
0x21: {  	v3 =	vld [tilespmem:$0x10];
	_ =	sdelay $0x4  }
0x22: {  	v63 =	vshrl.u32 v3, $0x3  }
0x23: {  	v4 =	vmul.u32 $0x18, v63  }
0x24: {  	v3 =	vand.u32 $0x7, v3  }
0x25: {  	v3 =	vor.u32 v3, v4  }
0x26: {  	v4 =	vperm.xlane v3, v0;
	_ =	sdelay $0x1  }
0x27: {  	v4 =	vadd.s32 v1, v4;
	_ =	sdelay $0x1  }
0x28: {  	v3 =	vperm.xlane v3, v2;
	_ =	sdelay $0x1  }
0x29: {  	v3 =	vadd.s32 v1, v3  }
0x2a: {  	[tilespmem:s13], [sflag:$0x1] =	stream.indirect_vreg.gather [hbm4b:s3+s2], $0x80, v4, vm0, $0xb8;
	[tilespmem:$0x3080] =	vst v63  }
0x2b: {  	_ = 	snop  }
0x2c: {  	[tilespmem:s14], [sflag:$0x1] =	stream.indirect_vreg.gather [hbm4b:s5+s2], $0x80, v4, vm1, $0xb8;
	[tilespmem:$0x3080] =	vst v63  }
0x2d: {  	_ = 	snop  }
0x2e: {  	[tilespmem:s15], [sflag:$0x1] =	stream.indirect_vreg.gather [hbm4b:s3+s2], $0x80, v3, vm0, $0xb8;
	[tilespmem:$0x3080] =	vst v63  }
0x2f: {  	_ = 	snop  }
0x30: {  	[tilespmem:s16], [sflag:$0x1] =	stream.indirect_vreg.gather [hbm4b:s5+s2], $0x80, v3, vm1, $0xb8;
	[tilespmem:$0x3080] =	vst v63  }
0x31: {  	_ =	swait.ge [sflag:s17], $0x3000  }
0x32: {  	p0 =	sne.s32 s7, $0x1;
	[sflag:s17] =	ssyncset.done $0x0  }
.Ltmp0:
0x33: {  	[sflag:s17] =	ssyncadd.s32 $0xFFFFD000;
	(pc) =	sbr.rel @p0 .LBB2_1-.Ltmp0, $4  }
0x34: {  	[hbm4b:s6+s2] =	stream.linear.scatter [tilespmem:s9], [sflag:$0x2], $0x3000, $0x38;
	[tilespmem:$0x3080] =	vst v63  }
0x35: {  	_ =	swait.ge [sflag:s8], $0x3000  }
0x36: {  	[sflag:s8] =	ssyncset.done $0x0  }
0x37: {  	s7 =	sadd.s32 $0xFFFFFFFF, s7;
	[sflag:s8] =	ssyncadd.s32 $0xFFFFD000  }
0x38: {  	_ =	sfence.sel $0x180000  }
0x39: {  	[bflag:$0x0] =	sbarrier.arrive $0xFFFF  }
0x3a: {  	p0 =	sne.s32 s1, $0x0;
	_ =	strace $0x90000047  }
0x3b: {  	s0 =	sadd.s32 @!p0 $0x100000, s0;
	[bflag:$0x2] =	sbarrier.arrive $0xFFFF  }
0x3c: {  	[sflag:s0] =	ssyncadd.tile.s32 @!p0 $0x1;
	_ =	shalt  }
.Lfunc_end2:
_tile_overlayer_lowered:
.L_overlay_start_2:
0x3d: {  	(tag) =	ssettag $0x2  }
0x3e: {  	s0 =	rddreg [dreg:$0x0];
	s2 =	stileid.u32  }
0x3f: {  	s1 =	rddreg [dreg:$0x1];
	p0 =	sne.s32 s2, $0x0  }
0x40: {  	s3 =	rddreg [dreg:$0x2];
	[bflag:$0x3] =	sbarrier.arrive $0xFFFF;
	s2 =	simm.s32 @!p0 $0x1C02  }
0x41: {  	[timem:s3], [sflag:s2] =	dma.local @!p0 [hbm:s0], s1  }
0x42: {  	s0 =	simm.s32 @!p0 $0x2  }
0x43: {  	_ =	swait.ge @!p0 [sflag:s0], s1  }
0x44: {  	s1 =	ssub.s32 @!p0 $0x0, s1;
	[sflag:s0] =	ssyncset.done @!p0 $0x0  }
0x45: {  	[sflag:s0] =	ssyncadd.s32 @!p0 s1  }
0x46: {  	[bflag:$0x3] =	sbarrier.arrive $0xFFFF  }
0x47: {  	_ =	shalt  }

</sc_bundles>
